<compile_context>
chip_gen: v7x
topology: tpu7x:2x2x1
jax: 0.10.2.dev20260603
libtpu: 0.0.44.dev20260713+nightly
codegen_flags: <defaults>
</compile_context>

<pallas_src>
import functools

import jax
import jax.numpy as jnp
from jax import lax
from jax.experimental import pallas as pl
from jax.experimental.pallas import tpu as pltpu
from jax.experimental.pallas import tpu_sc as plsc

_L = 16


@functools.cache
def _make_center_loss_kernel(batch, num_class, vec, nw):
    rows_per_w = batch // nw
    idx_blk = 128
    n_blk = rows_per_w // idx_blk
    vregs_per_row = vec // _L

    mesh = plsc.VectorSubcoreMesh(core_axis_name="c", subcore_axis_name="s")

    @functools.partial(
        pl.kernel,
        mesh=mesh,
        out_type=jax.ShapeDtypeStruct((nw, _L), jnp.float32),
        compiler_params=pltpu.CompilerParams(use_tc_tiling_on_sc=False),
        scratch_types=[
            pltpu.VMEM((n_blk, idx_blk), jnp.int32),
            pltpu.VMEM((rows_per_w, vec), jnp.float32),
            pltpu.VMEM((rows_per_w, vec), jnp.float32),
            pltpu.VMEM((_L,), jnp.float32),
            pltpu.SemaphoreType.DMA,
        ],
    )
    def k(target_hbm, emb_hbm, centers_hbm, out_hbm,
          idx_v, rows_v, emb_v, out_v, sem):
        nc = 2
        wid = lax.axis_index("s") * nc + lax.axis_index("c")
        base = wid * n_blk

        pltpu.sync_copy(target_hbm.at[pl.ds(base, n_blk)], idx_v)
        copies = []
        for b in range(n_blk):
            copies.append(pltpu.async_copy(
                centers_hbm.at[idx_v.at[b]],
                rows_v.at[pl.ds(b * idx_blk, idx_blk)],
                sem))
        pltpu.sync_copy(emb_hbm.at[pl.ds(wid * rows_per_w, rows_per_w)], emb_v)
        for c in copies:
            c.wait()

        zero = jnp.zeros((_L,), jnp.float32)

        def body(r, accs):
            a0, a1, a2, a3 = accs
            d0 = emb_v[r, pl.ds(0 * _L, _L)] - rows_v[r, pl.ds(0 * _L, _L)]
            d1 = emb_v[r, pl.ds(1 * _L, _L)] - rows_v[r, pl.ds(1 * _L, _L)]
            d2 = emb_v[r, pl.ds(2 * _L, _L)] - rows_v[r, pl.ds(2 * _L, _L)]
            d3 = emb_v[r, pl.ds(3 * _L, _L)] - rows_v[r, pl.ds(3 * _L, _L)]
            return (a0 + d0 * d0, a1 + d1 * d1, a2 + d2 * d2, a3 + d3 * d3)

        a0, a1, a2, a3 = lax.fori_loop(
            0, rows_per_w, body, (zero, zero, zero, zero))
        out_v[...] = (a0 + a1) + (a2 + a3)
        pltpu.sync_copy(out_v, out_hbm.at[wid])

    return k


def kernel(target, vector_embedding, centers):
    batch, vec = vector_embedding.shape
    num_class = centers.shape[0]
    info = plsc.get_sparse_core_info()
    nw = info.num_cores * info.num_subcores
    k = _make_center_loss_kernel(batch, num_class, vec, nw)
    idx2d = target.reshape(batch // 128, 128)
    partials = k(idx2d, vector_embedding, centers)
    return 0.5 * jnp.sum(partials) / batch

# --- scband reference (transcript-rebuilt; emitter-appended) ---
"""Pipeline reference for scband-center-loss-31387620999379 (READ-ONLY COPY).

The authoritative reference and input builder live on the scoring server;
editing this copy changes nothing except your own understanding.
"""

import jax, jax.numpy as jnp
import numpy as np

NUM_CLASS = 100000
VECTOR_SIZE = 64
BATCH = 16384

def setup_inputs(seed: int = 0) -> dict:
    key = jax.random.key(seed)
    k1, k2, k3 = jax.random.split(key, 3)
    target = jax.random.randint(k1, (BATCH,), 0, NUM_CLASS, dtype=jnp.int64 if jax.config.jax_enable_x64 else jnp.int32).astype(jnp.int32)
    vector_embedding = jax.random.normal(k2, (BATCH, VECTOR_SIZE), dtype=jnp.float32)
    centers = jax.random.normal(k3, (NUM_CLASS, VECTOR_SIZE), dtype=jnp.float32)
    return {"target": target, "vector_embedding": vector_embedding, "centers": centers}

def reference(target, vector_embedding, centers):
    # center_by_target = centers.index_select(0, target)
    center_by_target = jnp.take(centers, target, axis=0)
    diff = vector_embedding - center_by_target
    batch_size = diff.shape[0]
    return 0.5 * jnp.sum(diff ** 2) / batch_size

if __name__ == "__main__":
    import jax
    _d = setup_inputs()
    print(jax.jit(kernel)(*tuple(_d.values())))

</pallas_src>

<mosaic_0001>
#map = affine_map<(d0, d1) -> (0, 0)>
module attributes {stable_mosaic.version = 14 : i64} {
  func.func @k(%arg0: i32, %arg1: i32, %arg2: memref<128x128xi32, #tpu.memory_space<hbm>>, %arg3: memref<16384x64xf32, #tpu.memory_space<hbm>>, %arg4: memref<100000x64xf32, #tpu.memory_space<hbm>>, %arg5: memref<32x16xf32, #tpu.memory_space<hbm>>, %arg6: memref<4x128xi32, #tpu.memory_space<vmem>>, %arg7: memref<512x64xf32, #tpu.memory_space<vmem>>, %arg8: memref<512x64xf32, #tpu.memory_space<vmem>>, %arg9: memref<16xf32, #tpu.memory_space<vmem>>, %arg10: memref<!tpu.dma_semaphore, #tpu.memory_space<semaphore_mem>>) attributes {dimension_semantics = [#tpu.dimension_semantics<core_parallel>, #tpu.dimension_semantics<subcore_parallel>], iteration_bounds = array<i64: 2, 16>, scalar_prefetch = 0 : i64, scratch_operands = 5 : i64, tpu.core_type = #tpu.core_type<sc_vector_subcore>, window_params = [{transform_indices = #map}, {transform_indices = #map}, {transform_indices = #map}, {transform_indices = #map}]} {
    %mul3A = arith.constant 2 : i32
    %mul3A_0 = arith.muli %arg1, %mul3A : i32
    %add3A = arith.addi %mul3A_0, %arg0 : i32
    %mul3A_1 = arith.constant 4 : i32
    %mul3A_2 = arith.muli %add3A, %mul3A_1 : i32
    "tpu.region"() ({
      %run_scoped3A = tpu.sem_alloc : memref<!tpu.dma_semaphore, #tpu.memory_space<semaphore_mem>>
      %dma_start3A_95 = arith.constant 0 : i32
      %dma_start3A_96 = tpu.memref_slice %arg2[%mul3A_2, %dma_start3A_95] : memref<128x128xi32, #tpu.memory_space<hbm>> -> memref<4x128xi32, #tpu.memory_space<hbm>>
      %dma_start3A_97 = arith.constant 0 : i32
      %dma_start3A_98 = tpu.memref_slice %arg2[%mul3A_2, %dma_start3A_97] : memref<128x128xi32, #tpu.memory_space<hbm>> -> memref<4x128xi32, #tpu.memory_space<hbm>>
      tpu.enqueue_dma source(%dma_start3A_98 : memref<4x128xi32, #tpu.memory_space<hbm>>) target(%arg6 : memref<4x128xi32, #tpu.memory_space<vmem>>) target_semaphore(%run_scoped3A : memref<!tpu.dma_semaphore, #tpu.memory_space<semaphore_mem>>)
      %dma_wait3A_99 = arith.constant 0 : i32
      %dma_wait3A_100 = tpu.memref_slice %arg2[%mul3A_2, %dma_wait3A_99] : memref<128x128xi32, #tpu.memory_space<hbm>> -> memref<4x128xi32, #tpu.memory_space<hbm>>
      %dma_wait3A_101 = arith.constant 0 : i32
      %dma_wait3A_102 = tpu.memref_slice %arg2[%mul3A_2, %dma_wait3A_101] : memref<128x128xi32, #tpu.memory_space<hbm>> -> memref<4x128xi32, #tpu.memory_space<hbm>>
      tpu.wait_dma2 semaphore(%run_scoped3A : memref<!tpu.dma_semaphore, #tpu.memory_space<semaphore_mem>>) src(%dma_wait3A_102 : memref<4x128xi32, #tpu.memory_space<hbm>>) dst(%arg6 : memref<4x128xi32, #tpu.memory_space<vmem>>)
      tpu.yield
    }) : () -> ()
    %dma_start3A = arith.constant 0 : i32
    %dma_start3A_3 = arith.constant 0 : i32
    %dma_start3A_4 = arith.constant 0 : i32
    %dma_start3A_5 = tpu.memref_slice %arg7[%dma_start3A_3, %dma_start3A_4] : memref<512x64xf32, #tpu.memory_space<vmem>> -> memref<128x64xf32, #tpu.memory_space<vmem>>
    %dma_start3A_6 = arith.constant 0 : i32
    %dma_start3A_7 = tpu.memref_slice %arg6[%dma_start3A, %dma_start3A_6] : memref<4x128xi32, #tpu.memory_space<vmem>> -> memref<1x128xi32, #tpu.memory_space<vmem>>
    %dma_start3A_8 = tpu.memref_squeeze %dma_start3A_7 : memref<1x128xi32, #tpu.memory_space<vmem>> -> memref<128xi32, #tpu.memory_space<vmem>>
    %dma_start3A_9 = arith.constant 0 : i32
    %dma_start3A_10 = arith.constant 0 : i32
    %dma_start3A_11 = tpu.memref_slice %arg4[%dma_start3A_9, %dma_start3A_10] : memref<100000x64xf32, #tpu.memory_space<hbm>> -> memref<100000x64xf32, #tpu.memory_space<hbm>>
    tpu.enqueue_indirect_dma source(%dma_start3A_11 : memref<100000x64xf32, #tpu.memory_space<hbm>>) target(%dma_start3A_5 : memref<128x64xf32, #tpu.memory_space<vmem>>) offsets(%dma_start3A_8 : memref<128xi32, #tpu.memory_space<vmem>>) semaphore(%arg10 : memref<!tpu.dma_semaphore, #tpu.memory_space<semaphore_mem>>)
    %dma_start3A_12 = arith.constant 1 : i32
    %dma_start3A_13 = arith.constant 128 : i32
    %dma_start3A_14 = arith.constant 0 : i32
    %dma_start3A_15 = tpu.memref_slice %arg7[%dma_start3A_13, %dma_start3A_14] : memref<512x64xf32, #tpu.memory_space<vmem>> -> memref<128x64xf32, #tpu.memory_space<vmem>>
    %dma_start3A_16 = arith.constant 0 : i32
    %dma_start3A_17 = tpu.memref_slice %arg6[%dma_start3A_12, %dma_start3A_16] : memref<4x128xi32, #tpu.memory_space<vmem>> -> memref<1x128xi32, #tpu.memory_space<vmem>>
    %dma_start3A_18 = tpu.memref_squeeze %dma_start3A_17 : memref<1x128xi32, #tpu.memory_space<vmem>> -> memref<128xi32, #tpu.memory_space<vmem>>
    %dma_start3A_19 = arith.constant 0 : i32
    %dma_start3A_20 = arith.constant 0 : i32
    %dma_start3A_21 = tpu.memref_slice %arg4[%dma_start3A_19, %dma_start3A_20] : memref<100000x64xf32, #tpu.memory_space<hbm>> -> memref<100000x64xf32, #tpu.memory_space<hbm>>
    tpu.enqueue_indirect_dma source(%dma_start3A_21 : memref<100000x64xf32, #tpu.memory_space<hbm>>) target(%dma_start3A_15 : memref<128x64xf32, #tpu.memory_space<vmem>>) offsets(%dma_start3A_18 : memref<128xi32, #tpu.memory_space<vmem>>) semaphore(%arg10 : memref<!tpu.dma_semaphore, #tpu.memory_space<semaphore_mem>>)
    %dma_start3A_22 = arith.constant 2 : i32
    %dma_start3A_23 = arith.constant 256 : i32
    %dma_start3A_24 = arith.constant 0 : i32
    %dma_start3A_25 = tpu.memref_slice %arg7[%dma_start3A_23, %dma_start3A_24] : memref<512x64xf32, #tpu.memory_space<vmem>> -> memref<128x64xf32, #tpu.memory_space<vmem>>
    %dma_start3A_26 = arith.constant 0 : i32
    %dma_start3A_27 = tpu.memref_slice %arg6[%dma_start3A_22, %dma_start3A_26] : memref<4x128xi32, #tpu.memory_space<vmem>> -> memref<1x128xi32, #tpu.memory_space<vmem>>
    %dma_start3A_28 = tpu.memref_squeeze %dma_start3A_27 : memref<1x128xi32, #tpu.memory_space<vmem>> -> memref<128xi32, #tpu.memory_space<vmem>>
    %dma_start3A_29 = arith.constant 0 : i32
    %dma_start3A_30 = arith.constant 0 : i32
    %dma_start3A_31 = tpu.memref_slice %arg4[%dma_start3A_29, %dma_start3A_30] : memref<100000x64xf32, #tpu.memory_space<hbm>> -> memref<100000x64xf32, #tpu.memory_space<hbm>>
    tpu.enqueue_indirect_dma source(%dma_start3A_31 : memref<100000x64xf32, #tpu.memory_space<hbm>>) target(%dma_start3A_25 : memref<128x64xf32, #tpu.memory_space<vmem>>) offsets(%dma_start3A_28 : memref<128xi32, #tpu.memory_space<vmem>>) semaphore(%arg10 : memref<!tpu.dma_semaphore, #tpu.memory_space<semaphore_mem>>)
    %dma_start3A_32 = arith.constant 3 : i32
    %dma_start3A_33 = arith.constant 384 : i32
    %dma_start3A_34 = arith.constant 0 : i32
    %dma_start3A_35 = tpu.memref_slice %arg7[%dma_start3A_33, %dma_start3A_34] : memref<512x64xf32, #tpu.memory_space<vmem>> -> memref<128x64xf32, #tpu.memory_space<vmem>>
    %dma_start3A_36 = arith.constant 0 : i32
    %dma_start3A_37 = tpu.memref_slice %arg6[%dma_start3A_32, %dma_start3A_36] : memref<4x128xi32, #tpu.memory_space<vmem>> -> memref<1x128xi32, #tpu.memory_space<vmem>>
    %dma_start3A_38 = tpu.memref_squeeze %dma_start3A_37 : memref<1x128xi32, #tpu.memory_space<vmem>> -> memref<128xi32, #tpu.memory_space<vmem>>
    %dma_start3A_39 = arith.constant 0 : i32
    %dma_start3A_40 = arith.constant 0 : i32
    %dma_start3A_41 = tpu.memref_slice %arg4[%dma_start3A_39, %dma_start3A_40] : memref<100000x64xf32, #tpu.memory_space<hbm>> -> memref<100000x64xf32, #tpu.memory_space<hbm>>
    tpu.enqueue_indirect_dma source(%dma_start3A_41 : memref<100000x64xf32, #tpu.memory_space<hbm>>) target(%dma_start3A_35 : memref<128x64xf32, #tpu.memory_space<vmem>>) offsets(%dma_start3A_38 : memref<128xi32, #tpu.memory_space<vmem>>) semaphore(%arg10 : memref<!tpu.dma_semaphore, #tpu.memory_space<semaphore_mem>>)
    %mul3A_42 = arith.constant 512 : i32
    %mul3A_43 = arith.muli %add3A, %mul3A_42 : i32
    "tpu.region"() ({
      %run_scoped3A = tpu.sem_alloc : memref<!tpu.dma_semaphore, #tpu.memory_space<semaphore_mem>>
      %dma_start3A_95 = arith.constant 0 : i32
      %dma_start3A_96 = tpu.memref_slice %arg3[%mul3A_43, %dma_start3A_95] : memref<16384x64xf32, #tpu.memory_space<hbm>> -> memref<512x64xf32, #tpu.memory_space<hbm>>
      %dma_start3A_97 = arith.constant 0 : i32
      %dma_start3A_98 = tpu.memref_slice %arg3[%mul3A_43, %dma_start3A_97] : memref<16384x64xf32, #tpu.memory_space<hbm>> -> memref<512x64xf32, #tpu.memory_space<hbm>>
      tpu.enqueue_dma source(%dma_start3A_98 : memref<512x64xf32, #tpu.memory_space<hbm>>) target(%arg8 : memref<512x64xf32, #tpu.memory_space<vmem>>) target_semaphore(%run_scoped3A : memref<!tpu.dma_semaphore, #tpu.memory_space<semaphore_mem>>)
      %dma_wait3A_99 = arith.constant 0 : i32
      %dma_wait3A_100 = tpu.memref_slice %arg3[%mul3A_43, %dma_wait3A_99] : memref<16384x64xf32, #tpu.memory_space<hbm>> -> memref<512x64xf32, #tpu.memory_space<hbm>>
      %dma_wait3A_101 = arith.constant 0 : i32
      %dma_wait3A_102 = tpu.memref_slice %arg3[%mul3A_43, %dma_wait3A_101] : memref<16384x64xf32, #tpu.memory_space<hbm>> -> memref<512x64xf32, #tpu.memory_space<hbm>>
      tpu.wait_dma2 semaphore(%run_scoped3A : memref<!tpu.dma_semaphore, #tpu.memory_space<semaphore_mem>>) src(%dma_wait3A_102 : memref<512x64xf32, #tpu.memory_space<hbm>>) dst(%arg8 : memref<512x64xf32, #tpu.memory_space<vmem>>)
      tpu.yield
    }) : () -> ()
    %dma_wait3A = arith.constant 0 : i32
    %dma_wait3A_44 = arith.constant 0 : i32
    %dma_wait3A_45 = arith.constant 0 : i32
    %dma_wait3A_46 = tpu.memref_slice %arg7[%dma_wait3A_44, %dma_wait3A_45] : memref<512x64xf32, #tpu.memory_space<vmem>> -> memref<128x64xf32, #tpu.memory_space<vmem>>
    %dma_wait3A_47 = arith.constant 0 : i32
    %dma_wait3A_48 = tpu.memref_slice %arg6[%dma_wait3A, %dma_wait3A_47] : memref<4x128xi32, #tpu.memory_space<vmem>> -> memref<1x128xi32, #tpu.memory_space<vmem>>
    %dma_wait3A_49 = tpu.memref_squeeze %dma_wait3A_48 : memref<1x128xi32, #tpu.memory_space<vmem>> -> memref<128xi32, #tpu.memory_space<vmem>>
    %dma_wait3A_50 = arith.constant 0 : i32
    %dma_wait3A_51 = arith.constant 0 : i32
    %dma_wait3A_52 = tpu.memref_slice %arg4[%dma_wait3A_50, %dma_wait3A_51] : memref<100000x64xf32, #tpu.memory_space<hbm>> -> memref<100000x64xf32, #tpu.memory_space<hbm>>
    tpu.wait_indirect_dma semaphore(%arg10 : memref<!tpu.dma_semaphore, #tpu.memory_space<semaphore_mem>>) src(%dma_wait3A_52 : memref<100000x64xf32, #tpu.memory_space<hbm>>) dst(%dma_wait3A_46 : memref<128x64xf32, #tpu.memory_space<vmem>>)
    %dma_wait3A_53 = arith.constant 1 : i32
    %dma_wait3A_54 = arith.constant 128 : i32
    %dma_wait3A_55 = arith.constant 0 : i32
    %dma_wait3A_56 = tpu.memref_slice %arg7[%dma_wait3A_54, %dma_wait3A_55] : memref<512x64xf32, #tpu.memory_space<vmem>> -> memref<128x64xf32, #tpu.memory_space<vmem>>
    %dma_wait3A_57 = arith.constant 0 : i32
    %dma_wait3A_58 = tpu.memref_slice %arg6[%dma_wait3A_53, %dma_wait3A_57] : memref<4x128xi32, #tpu.memory_space<vmem>> -> memref<1x128xi32, #tpu.memory_space<vmem>>
    %dma_wait3A_59 = tpu.memref_squeeze %dma_wait3A_58 : memref<1x128xi32, #tpu.memory_space<vmem>> -> memref<128xi32, #tpu.memory_space<vmem>>
    %dma_wait3A_60 = arith.constant 0 : i32
    %dma_wait3A_61 = arith.constant 0 : i32
    %dma_wait3A_62 = tpu.memref_slice %arg4[%dma_wait3A_60, %dma_wait3A_61] : memref<100000x64xf32, #tpu.memory_space<hbm>> -> memref<100000x64xf32, #tpu.memory_space<hbm>>
    tpu.wait_indirect_dma semaphore(%arg10 : memref<!tpu.dma_semaphore, #tpu.memory_space<semaphore_mem>>) src(%dma_wait3A_62 : memref<100000x64xf32, #tpu.memory_space<hbm>>) dst(%dma_wait3A_56 : memref<128x64xf32, #tpu.memory_space<vmem>>)
    %dma_wait3A_63 = arith.constant 2 : i32
    %dma_wait3A_64 = arith.constant 256 : i32
    %dma_wait3A_65 = arith.constant 0 : i32
    %dma_wait3A_66 = tpu.memref_slice %arg7[%dma_wait3A_64, %dma_wait3A_65] : memref<512x64xf32, #tpu.memory_space<vmem>> -> memref<128x64xf32, #tpu.memory_space<vmem>>
    %dma_wait3A_67 = arith.constant 0 : i32
    %dma_wait3A_68 = tpu.memref_slice %arg6[%dma_wait3A_63, %dma_wait3A_67] : memref<4x128xi32, #tpu.memory_space<vmem>> -> memref<1x128xi32, #tpu.memory_space<vmem>>
    %dma_wait3A_69 = tpu.memref_squeeze %dma_wait3A_68 : memref<1x128xi32, #tpu.memory_space<vmem>> -> memref<128xi32, #tpu.memory_space<vmem>>
    %dma_wait3A_70 = arith.constant 0 : i32
    %dma_wait3A_71 = arith.constant 0 : i32
    %dma_wait3A_72 = tpu.memref_slice %arg4[%dma_wait3A_70, %dma_wait3A_71] : memref<100000x64xf32, #tpu.memory_space<hbm>> -> memref<100000x64xf32, #tpu.memory_space<hbm>>
    tpu.wait_indirect_dma semaphore(%arg10 : memref<!tpu.dma_semaphore, #tpu.memory_space<semaphore_mem>>) src(%dma_wait3A_72 : memref<100000x64xf32, #tpu.memory_space<hbm>>) dst(%dma_wait3A_66 : memref<128x64xf32, #tpu.memory_space<vmem>>)
    %dma_wait3A_73 = arith.constant 3 : i32
    %dma_wait3A_74 = arith.constant 384 : i32
    %dma_wait3A_75 = arith.constant 0 : i32
    %dma_wait3A_76 = tpu.memref_slice %arg7[%dma_wait3A_74, %dma_wait3A_75] : memref<512x64xf32, #tpu.memory_space<vmem>> -> memref<128x64xf32, #tpu.memory_space<vmem>>
    %dma_wait3A_77 = arith.constant 0 : i32
    %dma_wait3A_78 = tpu.memref_slice %arg6[%dma_wait3A_73, %dma_wait3A_77] : memref<4x128xi32, #tpu.memory_space<vmem>> -> memref<1x128xi32, #tpu.memory_space<vmem>>
    %dma_wait3A_79 = tpu.memref_squeeze %dma_wait3A_78 : memref<1x128xi32, #tpu.memory_space<vmem>> -> memref<128xi32, #tpu.memory_space<vmem>>
    %dma_wait3A_80 = arith.constant 0 : i32
    %dma_wait3A_81 = arith.constant 0 : i32
    %dma_wait3A_82 = tpu.memref_slice %arg4[%dma_wait3A_80, %dma_wait3A_81] : memref<100000x64xf32, #tpu.memory_space<hbm>> -> memref<100000x64xf32, #tpu.memory_space<hbm>>
    tpu.wait_indirect_dma semaphore(%arg10 : memref<!tpu.dma_semaphore, #tpu.memory_space<semaphore_mem>>) src(%dma_wait3A_82 : memref<100000x64xf32, #tpu.memory_space<hbm>>) dst(%dma_wait3A_76 : memref<128x64xf32, #tpu.memory_space<vmem>>)
    %broadcast_in_dim3A = arith.constant 0.000000e+00 : f32
    %broadcast_in_dim3A_83 = vector.broadcast %broadcast_in_dim3A : f32 to vector<16xf32>
    %scan3A = arith.constant 0 : i32
    %scan3A_84 = arith.constant 512 : i32
    %scan3A_85 = arith.addi %scan3A, %scan3A_84 : i32
    %scan3A_86 = arith.constant 1 : i32
    %scan3A_87:4 = scf.for %scan3A_95 = %scan3A to %scan3A_85 step %scan3A_86 iter_args(%scan3A_96 = %broadcast_in_dim3A_83, %scan3A_97 = %broadcast_in_dim3A_83, %scan3A_98 = %broadcast_in_dim3A_83, %scan3A_99 = %broadcast_in_dim3A_83) -> (vector<16xf32>, vector<16xf32>, vector<16xf32>, vector<16xf32>)  : i32 {
      %get3A = arith.index_cast %scan3A_95 : i32 to index
      %get3A_100 = arith.constant 0 : index
      %get3A_101 = tpu.vector_load %arg8[%get3A, %get3A_100] {strides = array<i32>} : memref<512x64xf32, #tpu.memory_space<vmem>>, vector<1x16xf32>,
      %get3A_102 = vector.shape_cast %get3A_101 : vector<1x16xf32> to vector<16xf32>
      %get3A_103 = arith.index_cast %scan3A_95 : i32 to index
      %get3A_104 = arith.constant 0 : index
      %get3A_105 = tpu.vector_load %arg7[%get3A_103, %get3A_104] {strides = array<i32>} : memref<512x64xf32, #tpu.memory_space<vmem>>, vector<1x16xf32>,
      %get3A_106 = vector.shape_cast %get3A_105 : vector<1x16xf32> to vector<16xf32>
      %sub3A = arith.subf %get3A_102, %get3A_106 : vector<16xf32>
      %get3A_107 = arith.index_cast %scan3A_95 : i32 to index
      %get3A_108 = arith.constant 16 : index
      %get3A_109 = tpu.vector_load %arg8[%get3A_107, %get3A_108] {strides = array<i32>} : memref<512x64xf32, #tpu.memory_space<vmem>>, vector<1x16xf32>,
      %get3A_110 = vector.shape_cast %get3A_109 : vector<1x16xf32> to vector<16xf32>
      %get3A_111 = arith.index_cast %scan3A_95 : i32 to index
      %get3A_112 = arith.constant 16 : index
      %get3A_113 = tpu.vector_load %arg7[%get3A_111, %get3A_112] {strides = array<i32>} : memref<512x64xf32, #tpu.memory_space<vmem>>, vector<1x16xf32>,
      %get3A_114 = vector.shape_cast %get3A_113 : vector<1x16xf32> to vector<16xf32>
      %sub3A_115 = arith.subf %get3A_110, %get3A_114 : vector<16xf32>
      %get3A_116 = arith.index_cast %scan3A_95 : i32 to index
      %get3A_117 = arith.constant 32 : index
      %get3A_118 = tpu.vector_load %arg8[%get3A_116, %get3A_117] {strides = array<i32>} : memref<512x64xf32, #tpu.memory_space<vmem>>, vector<1x16xf32>,
      %get3A_119 = vector.shape_cast %get3A_118 : vector<1x16xf32> to vector<16xf32>
      %get3A_120 = arith.index_cast %scan3A_95 : i32 to index
      %get3A_121 = arith.constant 32 : index
      %get3A_122 = tpu.vector_load %arg7[%get3A_120, %get3A_121] {strides = array<i32>} : memref<512x64xf32, #tpu.memory_space<vmem>>, vector<1x16xf32>,
      %get3A_123 = vector.shape_cast %get3A_122 : vector<1x16xf32> to vector<16xf32>
      %sub3A_124 = arith.subf %get3A_119, %get3A_123 : vector<16xf32>
      %get3A_125 = arith.index_cast %scan3A_95 : i32 to index
      %get3A_126 = arith.constant 48 : index
      %get3A_127 = tpu.vector_load %arg8[%get3A_125, %get3A_126] {strides = array<i32>} : memref<512x64xf32, #tpu.memory_space<vmem>>, vector<1x16xf32>,
      %get3A_128 = vector.shape_cast %get3A_127 : vector<1x16xf32> to vector<16xf32>
      %get3A_129 = arith.index_cast %scan3A_95 : i32 to index
      %get3A_130 = arith.constant 48 : index
      %get3A_131 = tpu.vector_load %arg7[%get3A_129, %get3A_130] {strides = array<i32>} : memref<512x64xf32, #tpu.memory_space<vmem>>, vector<1x16xf32>,
      %get3A_132 = vector.shape_cast %get3A_131 : vector<1x16xf32> to vector<16xf32>
      %sub3A_133 = arith.subf %get3A_128, %get3A_132 : vector<16xf32>
      %mul3A_134 = arith.mulf %sub3A, %sub3A : vector<16xf32>
      %add3A_135 = arith.addf %scan3A_96, %mul3A_134 : vector<16xf32>
      %mul3A_136 = arith.mulf %sub3A_115, %sub3A_115 : vector<16xf32>
      %add3A_137 = arith.addf %scan3A_97, %mul3A_136 : vector<16xf32>
      %mul3A_138 = arith.mulf %sub3A_124, %sub3A_124 : vector<16xf32>
      %add3A_139 = arith.addf %scan3A_98, %mul3A_138 : vector<16xf32>
      %mul3A_140 = arith.mulf %sub3A_133, %sub3A_133 : vector<16xf32>
      %add3A_141 = arith.addf %scan3A_99, %mul3A_140 : vector<16xf32>
      scf.yield %add3A_135, %add3A_137, %add3A_139, %add3A_141 : vector<16xf32>, vector<16xf32>, vector<16xf32>, vector<16xf32>
    }
    %scan3A_88 = arith.constant 512 : i32
    %add3A_89 = arith.addf %scan3A_87#0, %scan3A_87#1 : vector<16xf32>
    %add3A_90 = arith.addf %scan3A_87#2, %scan3A_87#3 : vector<16xf32>
    %add3A_91 = arith.addf %add3A_89, %add3A_90 : vector<16xf32>
    %swap3A = arith.constant 0 : index
    %swap3A_92 = tpu.vector_load %arg9[%swap3A] {strides = array<i32>} : memref<16xf32, #tpu.memory_space<vmem>>, vector<16xf32>,
    %swap3A_93 = vector.shape_cast %swap3A_92 : vector<16xf32> to vector<16xf32>
    %swap3A_94 = vector.shape_cast %add3A_91 : vector<16xf32> to vector<16xf32>
    tpu.vector_store %arg9[%swap3A], %swap3A_94 {strides = array<i32>} : memref<16xf32, #tpu.memory_space<vmem>>, vector<16xf32>,
    "tpu.region"() ({
      %run_scoped3A = tpu.sem_alloc : memref<!tpu.dma_semaphore, #tpu.memory_space<semaphore_mem>>
      %dma_start3A_95 = arith.constant 0 : i32
      %dma_start3A_96 = tpu.memref_slice %arg5[%add3A, %dma_start3A_95] : memref<32x16xf32, #tpu.memory_space<hbm>> -> memref<1x16xf32, #tpu.memory_space<hbm>>
      %dma_start3A_97 = tpu.memref_squeeze %dma_start3A_96 : memref<1x16xf32, #tpu.memory_space<hbm>> -> memref<16xf32, #tpu.memory_space<hbm>>
      %dma_start3A_98 = arith.constant 0 : i32
      %dma_start3A_99 = tpu.memref_slice %arg5[%add3A, %dma_start3A_98] : memref<32x16xf32, #tpu.memory_space<hbm>> -> memref<1x16xf32, #tpu.memory_space<hbm>>
      %dma_start3A_100 = tpu.memref_squeeze %dma_start3A_99 : memref<1x16xf32, #tpu.memory_space<hbm>> -> memref<16xf32, #tpu.memory_space<hbm>>
      tpu.enqueue_dma source(%arg9 : memref<16xf32, #tpu.memory_space<vmem>>) target(%dma_start3A_100 : memref<16xf32, #tpu.memory_space<hbm>>) target_semaphore(%run_scoped3A : memref<!tpu.dma_semaphore, #tpu.memory_space<semaphore_mem>>)
      %dma_wait3A_101 = arith.constant 0 : i32
      %dma_wait3A_102 = tpu.memref_slice %arg5[%add3A, %dma_wait3A_101] : memref<32x16xf32, #tpu.memory_space<hbm>> -> memref<1x16xf32, #tpu.memory_space<hbm>>
      %dma_wait3A_103 = tpu.memref_squeeze %dma_wait3A_102 : memref<1x16xf32, #tpu.memory_space<hbm>> -> memref<16xf32, #tpu.memory_space<hbm>>
      %dma_wait3A_104 = arith.constant 0 : i32
      %dma_wait3A_105 = tpu.memref_slice %arg5[%add3A, %dma_wait3A_104] : memref<32x16xf32, #tpu.memory_space<hbm>> -> memref<1x16xf32, #tpu.memory_space<hbm>>
      %dma_wait3A_106 = tpu.memref_squeeze %dma_wait3A_105 : memref<1x16xf32, #tpu.memory_space<hbm>> -> memref<16xf32, #tpu.memory_space<hbm>>
      tpu.wait_dma2 semaphore(%run_scoped3A : memref<!tpu.dma_semaphore, #tpu.memory_space<semaphore_mem>>) src(%arg9 : memref<16xf32, #tpu.memory_space<vmem>>) dst(%dma_wait3A_106 : memref<16xf32, #tpu.memory_space<hbm>>)
      tpu.yield
    }) : () -> ()
    return
  }
}

</mosaic_0001>

<sc_bundles>
// kernel: kernel.3.cloned.1.call-start
scs
__scs_entry_jumppad:
0x0: {  	(pc) =	sbr.rel $0x88, $3  }
0x1: {  	(tag) =	ssettag $0x0;
	lr =	simm.s32 $0x1  }
0x2: {  	[smem:$0x3F9E] =	sst lr;
	_ =	strace $0xD0000000  }
0x3: {  	_ = 	snop  }
0x4: {  	_ = 	snop  }
0x5: {  	_ = 	snop  }
0x6: {  	_ = 	snop  }
0x7: {  	_ = 	snop  }
__scs_overlays_trampoline_lowered:
0x8: {  	[smem:$0x3FAD] =	sst s0  }
0x9: {  	[smem:$0x3FAE] =	sst s1  }
0xa: {  	[smem:$0x3FAF] =	sst s2  }
0xb: {  	[smem:$0x3FB0] =	sst s3  }
0xc: {  	[smem:$0x3FB1] =	sst s4  }
0xd: {  	[smem:$0x3FB2] =	sst s5  }
0xe: {  	[smem:$0x3FB3] =	sst s6  }
0xf: {  	[smem:$0x3FB4] =	sst s7  }
0x10: {  	[smem:$0x3FB5] =	sst s8  }
0x11: {  	[smem:$0x3FB6] =	sst s9;
	s0 =	simm.s32 @!p0 $0x0  }
0x12: {  	s1 =	sld [smem:$0x3F9C];
	s0 =	simm.s32 @p0 $0x1  }
0x13: {  	[smem:$0x3FB7] =	sst s0;
	s0 =	simm.s32 @!p1 $0x0  }
0x14: {  	s2 =	sld [smem:$0x3F9B];
	s0 =	simm.s32 @p1 $0x1  }
0x15: {  	[smem:$0x3FB8] =	sst s0;
	s0 =	simm.s32 @!p2 $0x0  }
0x16: {  	s3 =	sld [smem:$0x3FDB];
	s0 =	simm.s32 @p2 $0x1  }
0x17: {  	s4 =	simm.s32 $0x1BF5;
	[smem:$0x3FBA] =	sst s0  }
0x18: {  	s0 =	sld [smem:$0x3F9D];
	_ =	swait.ge [sflag:s4], $0x0  }
0x19: {  	s7 =	sld [smem:$0x3F9E]  }
0x1a: {  	s8 =	sadd.s32 $0xFFFFE003, lr  }
0x1b: {  	s9 =	sadd.s32 $0xFFFFFEF7, lr;
	s5 =	simm.s32 $0xFFFFFFFF;
	p2 =	slt.u32 s8, $0xFFFFF086  }
0x1c: {  	p1 =	slt.u32 s9, $0xF7A;
	s5 =	simm.s32 @!p2 $0x0  }
0x1d: {  	s5 =	simm.s32 @p1 $0x1;
	p0 =	seq.s32 s7, s2  }
0x1e: {  	s7 =	smul.u32 @!p0 $0xF7A, s2;
	p2 =	seq.s32 @!p0 s5, $0x0  }
0x1f: {  	s9 =	smul.u32 $0xF7A, s1;
	s8 =	simm.s32 @!p0 $0x1BF5;
	p2 =	por !p2, p0  }
0x20: {  	[sflag:s8] =	ssyncset.s32 @!p0 $0xFFFFF086;
	s6 =	sadd.s32 @!p0 s3, s7;
	s7 =	simm.s32 @!p0 $0x108  }
0x21: {  	s3 =	sadd.s32 s3, s9;
	s6 =	sadd.s32 @!p0 $0x88, s6;
	s7 =	simm.s32 @p2 $0x1082  }
0x22: {  	[simem:s7], [sflag:s8] =	dma.local @!p0 [hbm:s6], $0xF7A  }
0x23: {  	s9 =	sor.u32 $0xD0000000, s2;
	s6 =	simm.s32 $0x108;
	_ =	swait.ge @!p0 [sflag:s8], $0x0  }
0x24: {  	s3 =	sadd.s32 $0x88, s3;
	s6 =	simm.s32 @!p1 $0x1082;
	[sflag:s4] =	ssyncset.s32 $0xFFFFF086  }
0x25: {  	[simem:s6], [sflag:s4] =	dma.local [hbm:s3], $0xF7A  }
0x26: {  	[smem:$0x3F9E] =	sst s1;
	(tag) =	ssettag s2;
	_ =	strace s9  }
0x27: {  	s1 =	sld [smem:$0x3FAE]  }
0x28: {  	s2 =	sld [smem:$0x3FAF]  }
0x29: {  	s4 =	sld [smem:$0x3FB1]  }
0x2a: {  	p0 =	seq.s32 s5, $0x0;
	s5 =	sld [smem:$0x3FB2]  }
0x2b: {  	s6 =	sld [smem:$0x3FB3]  }
0x2c: {  	s7 =	sld [smem:$0x3FB4]  }
0x2d: {  	s3 =	simm.s32 $0x108;
	s8 =	sld [smem:$0x3FB5]  }
0x2e: {  	s3 =	simm.s32 @!p0 $0x1082;
	s9 =	sld [smem:$0x3FB6]  }
0x2f: {  	lr =	sadd.s32 s0, s3;
	s0 =	sld [smem:$0x3FAD]  }
0x30: {  	s3 =	sld [smem:$0x3FB0]  }
0x31: {  	[smem:$0x3FB9] =	sst s10  }
0x32: {  	s10 =	sld [smem:$0x3FB7];
	_ =	sdelay $0x3  }
0x33: {  	p0 =	seq.s32 s10, $0x1;
	s10 =	sld [smem:$0x3FB9];
	_ =	sdelay $0x3  }
0x34: {  	[smem:$0x3FB9] =	sst s10  }
0x35: {  	s10 =	sld [smem:$0x3FB8];
	_ =	sdelay $0x3  }
0x36: {  	p1 =	seq.s32 s10, $0x1;
	s10 =	sld [smem:$0x3FB9];
	_ =	sdelay $0x3  }
0x37: {  	[smem:$0x3FB9] =	sst s10  }
0x38: {  	s10 =	sld [smem:$0x3FBA]  }
0x39: {  	_ = 	snop;
	(pc) =	sbr.ind lr, $3  }
0x3a: {  	_ = 	snop  }
0x3b: {  	_ = 	snop  }
0x3c: {  	p2 =	seq.s32 s10, $0x1;
	s10 =	sld [smem:$0x3FB9]  }
0x3d: {  	_ =	shalt  }
0x3e: {  	_ =	shalt  }
0x3f: {  	_ =	shalt  }
0x40: {  	_ =	shalt  }
0x41: {  	_ =	shalt  }
0x42: {  	_ =	shalt  }
0x43: {  	_ =	shalt  }
0x44: {  	_ =	shalt  }
0x45: {  	_ =	shalt  }
0x46: {  	_ =	shalt  }
0x47: {  	_ =	shalt  }
0x48: {  	_ =	shalt  }
0x49: {  	_ =	shalt  }
0x4a: {  	_ =	shalt  }
0x4b: {  	_ =	shalt  }
0x4c: {  	_ =	shalt  }
0x4d: {  	_ =	shalt  }
0x4e: {  	_ =	shalt  }
0x4f: {  	_ =	shalt  }
0x50: {  	_ =	shalt  }
0x51: {  	_ =	shalt  }
0x52: {  	_ =	shalt  }
0x53: {  	_ =	shalt  }
0x54: {  	_ =	shalt  }
0x55: {  	_ =	shalt  }
0x56: {  	_ =	shalt  }
0x57: {  	_ =	shalt  }
0x58: {  	_ =	shalt  }
0x59: {  	_ =	shalt  }
0x5a: {  	_ =	shalt  }
0x5b: {  	_ =	shalt  }
0x5c: {  	_ =	shalt  }
0x5d: {  	_ =	shalt  }
0x5e: {  	_ =	shalt  }
0x5f: {  	_ =	shalt  }
0x60: {  	_ =	shalt  }
0x61: {  	_ =	shalt  }
0x62: {  	_ =	shalt  }
0x63: {  	_ =	shalt  }
0x64: {  	_ =	shalt  }
0x65: {  	_ =	shalt  }
0x66: {  	_ =	shalt  }
0x67: {  	_ =	shalt  }
0x68: {  	_ =	shalt  }
0x69: {  	_ =	shalt  }
0x6a: {  	_ =	shalt  }
0x6b: {  	_ =	shalt  }
0x6c: {  	_ =	shalt  }
0x6d: {  	_ =	shalt  }
0x6e: {  	_ =	shalt  }
0x6f: {  	_ =	shalt  }
0x70: {  	_ =	shalt  }
0x71: {  	_ =	shalt  }
0x72: {  	_ =	shalt  }
0x73: {  	_ =	shalt  }
0x74: {  	_ =	shalt  }
0x75: {  	_ =	shalt  }
0x76: {  	_ =	shalt  }
0x77: {  	_ =	shalt  }
0x78: {  	_ =	shalt  }
0x79: {  	_ =	shalt  }
0x7a: {  	_ =	shalt  }
0x7b: {  	_ =	shalt  }
0x7c: {  	_ =	shalt  }
0x7d: {  	_ =	shalt  }
0x7e: {  	_ =	shalt  }
0x7f: {  	_ =	shalt  }
0x80: {  	_ =	shalt  }
0x81: {  	_ =	shalt  }
0x82: {  	_ =	shalt  }
0x83: {  	_ =	shalt  }
0x84: {  	_ =	shalt  }
0x85: {  	_ =	shalt  }
0x86: {  	_ =	shalt  }
0x87: {  	_ =	shalt  }
.Lfunc_end0:
.L_simem_size_0:
called_computation_lowered:
.L_overlay_start_0:
0x88: {  	s2 =	sld [smem:$0x3FD9]  }
0x89: {  	s3 =	sld [smem:$0x3FFE];
	_ =	sdelay $0x1  }
0x8a: {  	s1 =	srdreg.scid  }
0x8b: {  	s0 =	sand.u32 $0x1, s1  }
0x8c: {  	s17 =	sshll.u32 s0, $0xA;
	s2 =	sadd.s32 s3, s2  }
0x8d: {  	s2 =	sadd.s32 s2, s17  }
0x8e: {  	[smem:$0x3FC5] =	sst s2  }
0x8f: {  	_ = 	snop  }
0x90: {  	s2 =	sld [smem:$0x3FC9];
	(tm) =	ssettm $0x1  }
0x91: {  	s18 =	sld [smem:$0x3FFB];
	_ =	sdelay $0x3  }
0x92: {  	_ =	strace s18  }
0x93: {  	s3 =	sld [smem:$0x3FFC];
	_ =	sdelay $0x3  }
0x94: {  	_ =	strace s3  }
0x95: {  	s3 =	sld [smem:$0x3FFD];
	_ =	sdelay $0x3  }
0x96: {  	_ =	strace s3  }
0x97: {  	_ =	strace $0x8FFFFFFF  }
0x98: {  	s19 =	sld [smem:$0x3FDB];
	_ =	sdelay $0x1  }
0x99: {  	s4 =	simm.s32 $_scs_section_size  }
0x9a: {  	s5 =	simm.s32 $_size__tile_overlayer_lowered;
	s6 =	simm.s32 $_tile_overlayer_lowered  }
0x9b: {  	s22 =	simm.s32 $0x1BFF;
	s21 =	sshll.u32 s6, $0x1;
	s3 =	sadd.s32 s4, s19  }
0x9c: {  	s7 =	simm.s32 $0x0;
	s20 =	sshll.u32 s5, $0x1;
	s5 =	sadd.s32 s21, s3  }
0x9d: {  	[timem:s7], [sflag:s22] =	dma.local [hbm:s5], s20  }
0x9e: {  	_ =	swait.ge [sflag:s22], s20  }
0x9f: {  	s4 =	ssub.s32 $0x0, s20;
	[sflag:s22] =	ssyncset.done $0x0  }
0xa0: {  	[sflag:s22] =	ssyncadd.s32 s4;
	_ =	sdelay $0x1  }
0xa1: {  	s23 =	simm.s32 $0x1B8B  }
0xa2: {  	_ =	swait.ge [sflag:s23], $0x1  }
0xa3: {  	[sflag:s23] =	ssyncset.done $0x0  }
0xa4: {  	s25 =	simm.s32 $0x1B8E;
	s24 =	sld [smem:$0x3FFE];
	[sflag:s23] =	ssyncadd.s32 $0xFFFFFFFF  }
0xa5: {  	s26 =	simm.s32 $execute0_lowered;
	[smem:$0x3FD2] =	sst s25  }
0xa6: {  	s5 =	sshll.u32 s26, $0x1;
	_ =	strace $0x80000046;
	[dreg:$0x1] =	wrdreg $0xFFFFFFFF  }
0xa7: {  	s28 =	simm.s32 $_size_execute0_lowered;
	s3 =	sadd.s32 s3, s5;
	[dreg:$0x0] =	wrdreg $0x0  }
0xa8: {  	s5 =	sshll.u32 s28, $0x1;
	[dreg:$0x2] =	wrdreg s3  }
0xa9: {  	[dreg:$0x3] =	wrdreg s5  }
0xaa: {  	[dreg:$0x4] =	wrdreg $0xC0  }
0xab: {  	_ =	task [dreg:s7], $0x5FFFF  }
0xac: {  	[dreg:$0x1] =	wrdreg $0xFFFFFFFF  }
0xad: {  	[dreg:$0x0] =	wrdreg $0x60  }
0xae: {  	[dreg:$0x2] =	wrdreg s2  }
0xaf: {  	[dreg:$0x3] =	wrdreg s24  }
0xb0: {  	[dreg:$0x4] =	wrdreg $0x9  }
0xb1: {  	_ =	task.clear_ibuf [dreg:s7], $0x5FFFF;
	_ =	strace $0x90000046  }
0xb2: {  	s29 =	simm.s32 $0x9;
	_ =	strace $0x80000048  }
0xb3: {  	_ =	swait.ge [sflag:s29], $0x1  }
0xb4: {  	[sflag:s29] =	ssyncadd.s32 $0xFFFFFFFF  }
0xb5: {  	_ =	strace $0x90000048  }
0xb6: {  	_ =	sfence  }
0xb7: {  	s30 =	sld [smem:$0x0];
	_ =	sdelay $0x2  }
0xb8: {  	s31 =	sshll.u32 s1, $0xD;
	s1 =	sshrl.u32 s1, $0x2  }
0xb9: {  	s3 =	sand.u32 $0x4000, s31;
	s1 =	sadd.s32 s1, s30  }
0xba: {  	s0 =	sor.u32 s3, s0;
	s1 =	sshll.u32 s1, $0x11  }
0xbb: {  	s0 =	sor.u32 s1, s0  }
0xbc: {  	s0 =	sadd.s32 $0x8F2B, s0  }
0xbd: {  	[sflag:s0] =	ssyncadd.remote.s32 $0x1  }
0xbe: {  	_ =	sfence.sel $0xFFFF  }
0xbf: {  	[dreg:$0x0] =	wrdreg $0xFFFFFFFF;
	(pc) =	sbr.abs _section_cstart, $3  }
0xc0: {  	[dreg:$0x1] =	wrdreg $0xFFFFFFFF  }
0xc1: {  	_ =	task.clear_ibuf [dreg:s7], $0x2FFFF;
	_ =	strace $0x9FFFFFFF  }
0xc2: {  	(tm) =	ssettm $0x7FFFFFFF  }
0xc3: {  	_ =	shalt  }
tec
execute0_lowered:
.L_overlay_start_1:
0x0: {  	(tag) =	ssettag $0x1  }
0x1: {  	s4 =	rddreg [dreg:$0x0]  }
0x2: {  	s5 =	rddreg [dreg:$0x1]  }
0x3: {  	s0 =	rddreg [dreg:$0x2]  }
0x4: {  	s3 =	srdreg.scid;
	s1 =	stileid.u32;
	s2 =	simm.s32 $0x0  }
0x5: {  	s11 =	simm.s32 $0x2200;
	s12 =	simm.s32 $0x100;
	s13 =	simm.s32 $0x4200  }
0x6: {  	s14 =	simm.s32 $0x180;
	s15 =	simm.s32 $0x6200;
	s16 =	simm.s32 $0x8200  }
0x7: {  	s17 =	simm.s32 $0x1;
	s18 =	simm.s32 $0x10200;
	s19 =	simm.s32 $0x0  }
0x8: {  	s6 =	sand.u32 $0x1, s3;
	s31 =	sshll.u32 s1, $0x1;
	[smem:$0x7FF] =	sst s2  }
0x9: {  	s7 =	sor.u32 s6, s31;
	_ =	strace $0x80000047;
	s6 =	ssub.s32 $0x2, s6  }
0xa: {  	s3 =	sshll.u32 s7, $0xC;
	s9 =	sshll.u32 s7, $0x1;
	s10 =	sshrl.u32 s6, $0x1  }
0xb: {  	s7 =	sshll.u32 s7, $0x6;
	s8 =	sadd.s32 s3, s5;
	s3 =	sadd.s32 $0x186C00, s5  }
0xc: {  	s9 =	sadd.s32 s9, s5;
	s10 =	ssub.s32 s6, s10;
	s4 =	sadd.s32 s4, s7  }
0xd: {  	s5 =	sadd.s32 $0x200, s8;
	s6 =	sadd.s32 $0x20200, s9;
	s7 =	smax.u32 s10, $0x1  }
0xe: {  	s8 =	simm.s32 $0x2;
	s9 =	simm.s32 $0x80;
	s10 =	simm.s32 $0x200  }
.LBB2_1:
0xf: {  	[tilespmem:s2], [sflag:$0x2] =	stream.linear.gather [hbm4b:s4+s2], $0x200, $0x38;
	[tilespmem:$0x10210] =	vst v63  }
0x10: {  	_ =	swait.ge [sflag:s8], $0x200  }
0x11: {  	[sflag:s8] =	ssyncset.done $0x0  }
0x12: {  	[sflag:s8] =	ssyncadd.s32 $0xFFFFFE00  }
0x13: {  	[tilespmem:s10], [sflag:$0x1] =	stream.indirect.gather [hbm4b:s3+s9], $0x40, s2, s9, $0xb8;
	[tilespmem:$0x10210] =	vst v63  }
0x14: {  	_ = 	snop  }
0x15: {  	[tilespmem:s11], [sflag:$0x1] =	stream.indirect.gather [hbm4b:s3+s9], $0x40, s9, s9, $0xb8;
	[tilespmem:$0x10210] =	vst v63  }
0x16: {  	_ = 	snop  }
0x17: {  	[tilespmem:s13], [sflag:$0x1] =	stream.indirect.gather [hbm4b:s3+s9], $0x40, s12, s9, $0xb8;
	[tilespmem:$0x10210] =	vst v63  }
0x18: {  	_ = 	snop  }
0x19: {  	[tilespmem:s15], [sflag:$0x1] =	stream.indirect.gather [hbm4b:s3+s9], $0x40, s14, s9, $0xb8;
	[tilespmem:$0x10210] =	vst v63  }
0x1a: {  	_ = 	snop  }
0x1b: {  	[tilespmem:s16], [sflag:$0x2] =	stream.linear.gather [hbm4b:s5+s2], $0x8000, $0x38;
	[tilespmem:$0x10210] =	vst v63  }
0x1c: {  	_ =	swait.ge [sflag:s8], $0x8000  }
0x1d: {  	[sflag:s8] =	ssyncset.done $0x0  }
0x1e: {  	[sflag:s8] =	ssyncadd.s32 $0xFFFF8000  }
0x1f: {  	_ =	swait.ge [sflag:s17], $0x2000  }
0x20: {  	[sflag:s17] =	ssyncset.done $0x0  }
0x21: {  	[sflag:s17] =	ssyncadd.s32 $0xFFFFE000  }
0x22: {  	_ =	swait.ge [sflag:s17], $0x2000  }
0x23: {  	[sflag:s17] =	ssyncset.done $0x0  }
0x24: {  	[sflag:s17] =	ssyncadd.s32 $0xFFFFE000  }
0x25: {  	_ =	swait.ge [sflag:s17], $0x2000  }
0x26: {  	[sflag:s17] =	ssyncset.done $0x0  }
0x27: {  	[sflag:s17] =	ssyncadd.s32 $0xFFFFE000  }
0x28: {  	_ =	swait.ge [sflag:s17], $0x2000  }
0x29: {  	[sflag:s17] =	ssyncset.done $0x0  }
0x2a: {  	s21 =	simm.s32 $0x0;
	[sflag:s17] =	ssyncadd.s32 $0xFFFFE000  }
0x2b: {  	v0 =	vld [tilespmem:s21+$0x8230]  }
0x2c: {  	v1 =	vld [tilespmem:s21+$0x230]  }
0x2d: {  	v5 =	vld [tilespmem:s21+$0x8200]  }
0x2e: {  	v7 =	vld [tilespmem:s21+$0x200];
	_ =	sdelay $0x1  }
0x2f: {  	v3 =	vld [tilespmem:s21+$0x8210]  }
0x30: {  	v6 =	vld [tilespmem:s21+$0x210]  }
0x31: {  	v4 =	vld [tilespmem:s21+$0x8220];
	v0 =	vsub.f32 v0, v1  }
0x32: {  	v2 =	vimm.f32 $0.0e+00;
	s20 =	simm.s32 $0x40;
	v8 =	vld [tilespmem:s21+$0x220];
	v10 =	vsub.f32 v5, v7;
	v5 =	vimm.f32 $0.0e+00  }
0x33: {  	s21 =	simm.s32 $0x200;
	v7 =	vld [tilespmem:s20+$0x8230];
	v1 =	vimm.f32 $0.0e+00;
	v9 =	vmul.f32 v0, v0;
	v0 =	vimm.f32 $0.0e+00  }
.LBB2_2:
0x34: {  	p0 =	sne.s32 s21, $0x1FF00;
	v11 =	vld [tilespmem:s20+$0x230]  }
0x35: {  	v12 =	vld [tilespmem:s20+$0x8200];
	v6 =	vsub.f32 v3, v6;
	v10 =	vmul.f32 v10, v10;
	v2 =	vadd.f32 v9, v2  }
0x36: {  	v9 =	vld [tilespmem:s20+$0x200]  }
.Ltmp0:
0x37: {  	v3 =	vld [tilespmem:s20+$0x8210];
	v8 =	vsub.f32 v4, v8;
	v5 =	vadd.f32 v10, v5;
	v10 =	vmul.f32 v6, v6;
	(pc) =	sbr.rel @p0 .LBB2_2-.Ltmp0, $4  }
0x38: {  	v6 =	vld [tilespmem:s20+$0x210]  }
0x39: {  	v4 =	vld [tilespmem:s20+$0x8220];
	v11 =	vsub.f32 v7, v11;
	v1 =	vadd.f32 v10, v1;
	v13 =	vmul.f32 v8, v8  }
0x3a: {  	v8 =	vld [tilespmem:s20+$0x220];
	s20 =	sshra.s32 s21, $0x2  }
0x3b: {  	s21 =	sadd.s32 $0x100, s21;
	v7 =	vld [tilespmem:s20+$0x8230];
	v10 =	vsub.f32 v12, v9;
	v9 =	vmul.f32 v11, v11;
	v0 =	vadd.f32 v13, v0  }
0x3c: {  	v11 =	vld [tilespmem:s20+$0x230]  }
0x3d: {  	v12 =	vld [tilespmem:s20+$0x8200]  }
0x3e: {  	v13 =	vld [tilespmem:s20+$0x200]  }
0x3f: {  	v14 =	vld [tilespmem:s20+$0x8210]  }
0x40: {  	v15 =	vld [tilespmem:s20+$0x210]  }
0x41: {  	v16 =	vld [tilespmem:s20+$0x8220]  }
0x42: {  	v17 =	vld [tilespmem:s20+$0x220]  }
0x43: {  	v10 =	vmul.f32 v10, v10  }
0x44: {  	v3 =	vsub.f32 v3, v6;
	v2 =	vadd.f32 v9, v2  }
0x45: {  	v4 =	vsub.f32 v4, v8;
	v5 =	vadd.f32 v10, v5  }
0x46: {  	v3 =	vmul.f32 v3, v3;
	v55 =	vsub.f32 v7, v11;
	v56 =	vsub.f32 v12, v13  }
0x47: {  	v4 =	vmul.f32 v4, v4;
	v57 =	vsub.f32 v14, v15;
	v58 =	vsub.f32 v16, v17  }
0x48: {  	v1 =	vadd.f32 v3, v1;
	v59 =	vmul.f32 v55, v55;
	v60 =	vmul.f32 v56, v56  }
0x49: {  	v0 =	vadd.f32 v4, v0;
	v61 =	vmul.f32 v57, v57;
	v62 =	vmul.f32 v58, v58  }
0x4a: {  	v2 =	vadd.f32 v59, v2;
	v63 =	vadd.f32 v60, v5  }
0x4b: {  	v1 =	vadd.f32 v61, v1;
	v0 =	vadd.f32 v62, v0;
	_ =	sdelay $0x1  }
0x4c: {  	v1 =	vadd.f32 v1, v63;
	v0 =	vadd.f32 v2, v0;
	_ =	sdelay $0x1  }
0x4d: {  	s19 =	sadd.s32 $0x1, s19;
	v0 =	vadd.f32 v0, v1  }
0x4e: {  	p0 =	sne.s32 s19, s7  }
.Ltmp1:
0x4f: {  	[tilespmem:$0x10200] =	vst v0;
	(pc) =	sbr.rel @p0 .LBB2_1-.Ltmp1, $4  }
0x50: {  	[hbm4b:s6+s2] =	stream.linear.scatter [tilespmem:s18], [sflag:$0x2], $0x10, $0x38;
	[tilespmem:$0x10210] =	vst v63  }
0x51: {  	_ =	swait.ge [sflag:s8], $0x10  }
0x52: {  	[sflag:s8] =	ssyncset.done $0x0  }
0x53: {  	[sflag:s8] =	ssyncadd.s32 $0xFFFFFFF0  }
0x54: {  	_ =	sfence.sel $0x180000  }
0x55: {  	[bflag:$0x0] =	sbarrier.arrive $0xFFFF  }
0x56: {  	p0 =	sne.s32 s1, $0x0;
	_ =	strace $0x90000047  }
0x57: {  	s0 =	sadd.s32 @!p0 $0x100000, s0;
	[bflag:$0x2] =	sbarrier.arrive $0xFFFF  }
0x58: {  	[sflag:s0] =	ssyncadd.tile.s32 @!p0 $0x1;
	_ =	shalt  }
.Lfunc_end2:
_tile_overlayer_lowered:
.L_overlay_start_2:
0x59: {  	(tag) =	ssettag $0x2  }
0x5a: {  	s0 =	rddreg [dreg:$0x0];
	s2 =	stileid.u32  }
0x5b: {  	s1 =	rddreg [dreg:$0x1];
	p0 =	sne.s32 s2, $0x0  }
0x5c: {  	s3 =	rddreg [dreg:$0x2];
	[bflag:$0x3] =	sbarrier.arrive $0xFFFF;
	s2 =	simm.s32 @!p0 $0x1C02  }
0x5d: {  	[timem:s3], [sflag:s2] =	dma.local @!p0 [hbm:s0], s1  }
0x5e: {  	s0 =	simm.s32 @!p0 $0x2  }
0x5f: {  	_ =	swait.ge @!p0 [sflag:s0], s1  }
0x60: {  	s1 =	ssub.s32 @!p0 $0x0, s1;
	[sflag:s0] =	ssyncset.done @!p0 $0x0  }
0x61: {  	[sflag:s0] =	ssyncadd.s32 @!p0 s1  }
0x62: {  	[bflag:$0x3] =	sbarrier.arrive $0xFFFF  }
0x63: {  	_ =	shalt  }

</sc_bundles>
